<compile_context>
chip_gen: v7x
topology: tpu7x:2x2x1
jax: 0.10.2.dev20260603
libtpu: 0.0.44.dev20260713+nightly
codegen_flags: <defaults>
</compile_context>

<pallas_src>
import functools

import numpy as np
import jax
import jax.numpy as jnp
from jax import lax
from jax.experimental import pallas as pl
from jax.experimental.pallas import tpu as pltpu
from jax.experimental.pallas import tpu_sc as plsc

N_EXP = 16
INNER = 4
BIGGER = 16
UNITS = N_EXP * INNER * BIGGER
D = 1024
BS = 512
NEG_INF = float("-inf")

_G = np.zeros((UNITS, N_EXP * INNER), np.float32)
_G[np.arange(UNITS), np.arange(UNITS) // BIGGER] = 1.0 / BIGGER


def _tc_body(x_ref, wout_ref, wg_ref, wu_ref, g_ref, logits_ref, inner_ref):
    xb = x_ref[...].astype(jnp.bfloat16)
    wout = wout_ref[...].astype(jnp.bfloat16)
    nt = (((1,), (1,)), ((), ()))
    logits_ref[...] = lax.dot_general(
        xb, wout, nt, preferred_element_type=jnp.float32)
    wg = wg_ref[...].astype(jnp.bfloat16)
    wu = wu_ref[...].astype(jnp.bfloat16)
    g = lax.dot_general(xb, wg, nt, preferred_element_type=jnp.float32)
    u = lax.dot_general(xb, wu, nt, preferred_element_type=jnp.float32)
    s = jnp.abs(u * (g * jax.nn.sigmoid(g)))
    inner_ref[...] = lax.dot_general(
        s, g_ref[...], (((1,), (0,)), ((), ())),
        precision=lax.Precision.HIGHEST,
        preferred_element_type=jnp.float32)


def _tc_call(x, wout, wg2, wu2):
    return pl.pallas_call(
        _tc_body,
        out_shape=[
            jax.ShapeDtypeStruct((BS, N_EXP), jnp.float32),
            jax.ShapeDtypeStruct((BS, N_EXP * INNER), jnp.float32),
        ],
    )(x, wout, wg2, wu2, _G)


_SC_CORES = 1
_GROUPS = BS // (16 * 16 * _SC_CORES)


def _sc_process(lt_v, it_v, ov_v):
    lane = lax.iota(jnp.int32, 16)
    zeros = jnp.zeros((16,), jnp.int32)
    ninf = jnp.full((16,), NEG_INF, jnp.float32)

    def top2_step(c, carry):
        m0, e0, m1, e1 = carry
        l = plsc.load_gather(lt_v, [lane, zeros + c])
        gt0 = l > m0
        gt1 = l > m1
        e1 = jnp.where(gt0, e0, jnp.where(gt1, c, e1))
        m1 = jnp.where(gt0, m0, jnp.where(gt1, l, m1))
        e0 = jnp.where(gt0, c, e0)
        m0 = jnp.where(gt0, l, m0)
        return m0, e0, m1, e1

    l0 = plsc.load_gather(lt_v, [lane, zeros])
    m0, e0, m1, e1 = lax.fori_loop(
        1, N_EXP, top2_step, (l0, zeros, ninf, zeros))

    w0 = 1.0 / (1.0 + jnp.exp(m1 - m0))
    w1 = 1.0 - w0

    def inner_top2(e):
        base = e * INNER

        def step(i, carry):
            s0, i0, s1, i1 = carry
            s = plsc.load_gather(it_v, [lane, base + i])
            gt0 = s > s0
            gt1 = s > s1
            i1 = jnp.where(gt0, i0, jnp.where(gt1, i, i1))
            s1 = jnp.where(gt0, s0, jnp.where(gt1, s, s1))
            i0 = jnp.where(gt0, i, i0)
            s0 = jnp.where(gt0, s, s0)
            return s0, i0, s1, i1

        sA = plsc.load_gather(it_v, [lane, base])
        _, i0, _, i1 = lax.fori_loop(
            1, INNER, step, (sA, zeros, ninf, zeros))
        return base + i0, base + i1

    idA0, idA1 = inner_top2(e0)
    idB0, idB1 = inner_top2(e1)

    cols = [w0, w0, w1, w1,
            (idA0).astype(jnp.float32), (idA1).astype(jnp.float32),
            (idB0).astype(jnp.float32), (idB1).astype(jnp.float32)]
    for j, v in enumerate(cols):
        plsc.store_scatter(ov_v, [lane, zeros + j], v)


def _sc_body(logits_hbm, inner_hbm, out_hbm,
             lt0, it0, ov0, lt1, it1, ov1,
             sem_l0, sem_i0, sem_l1, sem_i1, sem_o):
    sid = lax.axis_index("s")
    tA = pl.multiple_of(sid * 32, 16)
    tB = pl.multiple_of(sid * 32 + 16, 16)
    cpl0 = pltpu.async_copy(logits_hbm.at[pl.ds(tA, 16), :], lt0, sem_l0)
    cpi0 = pltpu.async_copy(inner_hbm.at[pl.ds(tA, 16), :], it0, sem_i0)
    cpl1 = pltpu.async_copy(logits_hbm.at[pl.ds(tB, 16), :], lt1, sem_l1)
    cpi1 = pltpu.async_copy(inner_hbm.at[pl.ds(tB, 16), :], it1, sem_i1)
    cpl0.wait()
    cpi0.wait()
    _sc_process(lt0, it0, ov0)
    cpo0 = pltpu.async_copy(ov0, out_hbm.at[pl.ds(tA, 16), :], sem_o)
    cpl1.wait()
    cpi1.wait()
    _sc_process(lt1, it1, ov1)
    cpo1 = pltpu.async_copy(ov1, out_hbm.at[pl.ds(tB, 16), :], sem_o)
    cpo0.wait()
    cpo1.wait()


@functools.lru_cache(maxsize=1)
def _sc_call():
    return pl.kernel(
        _sc_body,
        out_type=jax.ShapeDtypeStruct((BS, 8), jnp.float32),
        mesh=plsc.VectorSubcoreMesh(
            core_axis_name="c", subcore_axis_name="s", num_cores=_SC_CORES),
        compiler_params=pltpu.CompilerParams(needs_layout_passes=False),
        scratch_types=[
            pltpu.VMEM((16, N_EXP), jnp.float32),
            pltpu.VMEM((16, N_EXP * INNER), jnp.float32),
            pltpu.VMEM((16, 8), jnp.float32),
            pltpu.VMEM((16, N_EXP), jnp.float32),
            pltpu.VMEM((16, N_EXP * INNER), jnp.float32),
            pltpu.VMEM((16, 8), jnp.float32),
            pltpu.SemaphoreType.DMA,
            pltpu.SemaphoreType.DMA,
            pltpu.SemaphoreType.DMA,
            pltpu.SemaphoreType.DMA,
            pltpu.SemaphoreType.DMA,
        ],
    )


def kernel(x, out_gate_weight, stacked_in_gate_weights, stacked_in_up_weights):
    wg2 = stacked_in_gate_weights.reshape(UNITS, D)
    wu2 = stacked_in_up_weights.reshape(UNITS, D)
    logits, inner = _tc_call(x, out_gate_weight, wg2, wu2)
    buf = _sc_call()(logits, inner)
    return buf[:, :4], buf[:, 4:].astype(jnp.int32)

# --- scband reference (transcript-rebuilt; emitter-appended) ---
"""Pipeline reference for scband-router-compound-fast-1984274891214 (READ-ONLY COPY).

The authoritative reference and input builder live on the scoring server;
editing this copy changes nothing except your own understanding.
"""

import jax, jax.numpy as jnp
import numpy as np

N_ROUTED = 16      # num_experts(64) // inner_num(4)
INNER = 4
BIGGER = 16
D = 1024
ACTI = 2           # num_experts_per_tok
PATTERN = [2, 2]   # acti_pattern, len == ACTI
BS = 512


def setup_inputs(seed: int = 0) -> dict:
    key = jax.random.key(seed)
    k1, k2, k3, k4 = jax.random.split(key, 4)
    x = jax.random.normal(k1, (BS, D), dtype=jnp.float32)
    out_gate_weight = jax.random.normal(k2, (N_ROUTED, D), dtype=jnp.float32) * 0.02
    stacked_in_gate_weights = jax.random.normal(k3, (N_ROUTED, BIGGER * INNER, D), dtype=jnp.float32) * 0.02
    stacked_in_up_weights = jax.random.normal(k4, (N_ROUTED, BIGGER * INNER, D), dtype=jnp.float32) * 0.02
    return {
        "x": x,
        "out_gate_weight": out_gate_weight,
        "stacked_in_gate_weights": stacked_in_gate_weights,
        "stacked_in_up_weights": stacked_in_up_weights,
    }


def reference(x, out_gate_weight, stacked_in_gate_weights, stacked_in_up_weights):
    bs = x.shape[0]
    # Step 1: outer router (fp32 gating, softmax, top-k, renorm)
    logits = x.astype(jnp.float32) @ out_gate_weight.astype(jnp.float32).T
    out_scores = jax.nn.softmax(logits, axis=-1)
    routing_weights, selected_experts = jax.lax.top_k(out_scores, ACTI)
    routing_weights = routing_weights / jnp.sum(routing_weights, axis=-1, keepdims=True)  # norm_topk_prob=True
    # Step 2: flatten token/expert pairs
    flat_x = jnp.repeat(x, ACTI, axis=0)                         # [bs*ACTI, D]
    flat_expert_ids = selected_experts.reshape(-1)               # [bs*ACTI]
    flat_weights = routing_weights.reshape(-1)                   # [bs*ACTI]
    # Step 3: gather per-token expert weight banks and run batched gemv (bmm)
    batch_gate_weights = jnp.take(stacked_in_gate_weights, flat_expert_ids, axis=0)  # [bs*ACTI, BIGGER*INNER, D]
    batch_up_weights = jnp.take(stacked_in_up_weights, flat_expert_ids, axis=0)
    gate_out = jnp.einsum('bij,bj->bi', batch_gate_weights, flat_x)
    up_out = jnp.einsum('bij,bj->bi', batch_up_weights, flat_x)
    silu = gate_out * jax.nn.sigmoid(gate_out)
    scores = jnp.abs(up_out * silu)
    scores = scores.reshape(-1, INNER, BIGGER)
    all_inner_scores = jnp.mean(scores, axis=2)                  # [bs*ACTI, INNER]
    # Step 4: inner top-k with per-slot activation pattern
    max_topk = max(PATTERN)
    _, topk_indices = jax.lax.top_k(all_inner_scores, max_topk)  # [bs*ACTI, max_topk]
    selected_inner_ids = flat_expert_ids[:, None] * INNER + topk_indices
    # mask is static: depends only on acti_pattern
    mask = np.arange(max_topk)[None, :] < np.array(PATTERN)[:, None]   # [ACTI, max_topk]
    total_activated = int(mask.sum())
    final_ids = selected_inner_ids.reshape(bs, ACTI, max_topk)[:, mask].reshape(bs, total_activated)
    expanded_weights = jnp.broadcast_to(flat_weights[:, None], (bs * ACTI, max_topk))
    final_weights = expanded_weights.reshape(bs, ACTI, max_topk)[:, mask].reshape(bs, total_activated)
    return (final_weights, final_ids)

if __name__ == "__main__":
    import jax
    _d = setup_inputs()
    print(jax.jit(kernel)(*tuple(_d.values())))

</pallas_src>

<mosaic_0001>
#map = affine_map<(d0, d1) -> (0, 0)>
module attributes {stable_mosaic.version = 14 : i64} {
  func.func @_sc_body(%arg0: i32, %arg1: i32, %arg2: memref<512x16xf32, #tpu.memory_space<hbm>>, %arg3: memref<512x64xf32, #tpu.memory_space<hbm>>, %arg4: memref<512x8xf32, #tpu.memory_space<hbm>>, %arg5: memref<16x16xf32, #tpu.memory_space<vmem>>, %arg6: memref<16x64xf32, #tpu.memory_space<vmem>>, %arg7: memref<16x8xf32, #tpu.memory_space<vmem>>, %arg8: memref<16x16xf32, #tpu.memory_space<vmem>>, %arg9: memref<16x64xf32, #tpu.memory_space<vmem>>, %arg10: memref<16x8xf32, #tpu.memory_space<vmem>>, %arg11: memref<!tpu.dma_semaphore, #tpu.memory_space<semaphore_mem>>, %arg12: memref<!tpu.dma_semaphore, #tpu.memory_space<semaphore_mem>>, %arg13: memref<!tpu.dma_semaphore, #tpu.memory_space<semaphore_mem>>, %arg14: memref<!tpu.dma_semaphore, #tpu.memory_space<semaphore_mem>>, %arg15: memref<!tpu.dma_semaphore, #tpu.memory_space<semaphore_mem>>) attributes {dimension_semantics = [#tpu.dimension_semantics<core_parallel>, #tpu.dimension_semantics<subcore_parallel>], iteration_bounds = array<i64: 1, 16>, scalar_prefetch = 0 : i64, scratch_operands = 11 : i64, tpu.core_type = #tpu.core_type<sc_vector_subcore>, window_params = [{transform_indices = #map}, {transform_indices = #map}, {transform_indices = #map}]} {
    %mul3A = arith.constant 32 : i32
    %mul3A_0 = arith.muli %arg1, %mul3A : i32
    %multiple_of3A = tpu.assume_multiple %mul3A_0, 16 : i32
    %mul3A_1 = arith.constant 32 : i32
    %mul3A_2 = arith.muli %arg1, %mul3A_1 : i32
    %add3A = arith.constant 16 : i32
    %add3A_3 = arith.addi %mul3A_2, %add3A : i32
    %multiple_of3A_4 = tpu.assume_multiple %add3A_3, 16 : i32
    %dma_start3A = arith.constant 0 : i32
    %dma_start3A_5 = tpu.memref_slice %arg2[%multiple_of3A, %dma_start3A] : memref<512x16xf32, #tpu.memory_space<hbm>> -> memref<16x16xf32, #tpu.memory_space<hbm>>
    %dma_start3A_6 = arith.constant 0 : i32
    %dma_start3A_7 = tpu.memref_slice %arg2[%multiple_of3A, %dma_start3A_6] : memref<512x16xf32, #tpu.memory_space<hbm>> -> memref<16x16xf32, #tpu.memory_space<hbm>>
    tpu.enqueue_dma source(%dma_start3A_7 : memref<16x16xf32, #tpu.memory_space<hbm>>) target(%arg5 : memref<16x16xf32, #tpu.memory_space<vmem>>) target_semaphore(%arg11 : memref<!tpu.dma_semaphore, #tpu.memory_space<semaphore_mem>>)
    %dma_start3A_8 = arith.constant 0 : i32
    %dma_start3A_9 = tpu.memref_slice %arg3[%multiple_of3A, %dma_start3A_8] : memref<512x64xf32, #tpu.memory_space<hbm>> -> memref<16x64xf32, #tpu.memory_space<hbm>>
    %dma_start3A_10 = arith.constant 0 : i32
    %dma_start3A_11 = tpu.memref_slice %arg3[%multiple_of3A, %dma_start3A_10] : memref<512x64xf32, #tpu.memory_space<hbm>> -> memref<16x64xf32, #tpu.memory_space<hbm>>
    tpu.enqueue_dma source(%dma_start3A_11 : memref<16x64xf32, #tpu.memory_space<hbm>>) target(%arg6 : memref<16x64xf32, #tpu.memory_space<vmem>>) target_semaphore(%arg12 : memref<!tpu.dma_semaphore, #tpu.memory_space<semaphore_mem>>)
    %dma_start3A_12 = arith.constant 0 : i32
    %dma_start3A_13 = tpu.memref_slice %arg2[%multiple_of3A_4, %dma_start3A_12] : memref<512x16xf32, #tpu.memory_space<hbm>> -> memref<16x16xf32, #tpu.memory_space<hbm>>
    %dma_start3A_14 = arith.constant 0 : i32
    %dma_start3A_15 = tpu.memref_slice %arg2[%multiple_of3A_4, %dma_start3A_14] : memref<512x16xf32, #tpu.memory_space<hbm>> -> memref<16x16xf32, #tpu.memory_space<hbm>>
    tpu.enqueue_dma source(%dma_start3A_15 : memref<16x16xf32, #tpu.memory_space<hbm>>) target(%arg8 : memref<16x16xf32, #tpu.memory_space<vmem>>) target_semaphore(%arg13 : memref<!tpu.dma_semaphore, #tpu.memory_space<semaphore_mem>>)
    %dma_start3A_16 = arith.constant 0 : i32
    %dma_start3A_17 = tpu.memref_slice %arg3[%multiple_of3A_4, %dma_start3A_16] : memref<512x64xf32, #tpu.memory_space<hbm>> -> memref<16x64xf32, #tpu.memory_space<hbm>>
    %dma_start3A_18 = arith.constant 0 : i32
    %dma_start3A_19 = tpu.memref_slice %arg3[%multiple_of3A_4, %dma_start3A_18] : memref<512x64xf32, #tpu.memory_space<hbm>> -> memref<16x64xf32, #tpu.memory_space<hbm>>
    tpu.enqueue_dma source(%dma_start3A_19 : memref<16x64xf32, #tpu.memory_space<hbm>>) target(%arg9 : memref<16x64xf32, #tpu.memory_space<vmem>>) target_semaphore(%arg14 : memref<!tpu.dma_semaphore, #tpu.memory_space<semaphore_mem>>)
    %dma_wait3A = arith.constant 0 : i32
    %dma_wait3A_20 = tpu.memref_slice %arg2[%multiple_of3A, %dma_wait3A] : memref<512x16xf32, #tpu.memory_space<hbm>> -> memref<16x16xf32, #tpu.memory_space<hbm>>
    %dma_wait3A_21 = arith.constant 0 : i32
    %dma_wait3A_22 = tpu.memref_slice %arg2[%multiple_of3A, %dma_wait3A_21] : memref<512x16xf32, #tpu.memory_space<hbm>> -> memref<16x16xf32, #tpu.memory_space<hbm>>
    tpu.wait_dma2 semaphore(%arg11 : memref<!tpu.dma_semaphore, #tpu.memory_space<semaphore_mem>>) src(%dma_wait3A_22 : memref<16x16xf32, #tpu.memory_space<hbm>>) dst(%arg5 : memref<16x16xf32, #tpu.memory_space<vmem>>)
    %dma_wait3A_23 = arith.constant 0 : i32
    %dma_wait3A_24 = tpu.memref_slice %arg3[%multiple_of3A, %dma_wait3A_23] : memref<512x64xf32, #tpu.memory_space<hbm>> -> memref<16x64xf32, #tpu.memory_space<hbm>>
    %dma_wait3A_25 = arith.constant 0 : i32
    %dma_wait3A_26 = tpu.memref_slice %arg3[%multiple_of3A, %dma_wait3A_25] : memref<512x64xf32, #tpu.memory_space<hbm>> -> memref<16x64xf32, #tpu.memory_space<hbm>>
    tpu.wait_dma2 semaphore(%arg12 : memref<!tpu.dma_semaphore, #tpu.memory_space<semaphore_mem>>) src(%dma_wait3A_26 : memref<16x64xf32, #tpu.memory_space<hbm>>) dst(%arg6 : memref<16x64xf32, #tpu.memory_space<vmem>>)
    %iota3A = tpu.iota {dimensions = array<i32: 0>} : vector<16xi32>
    %broadcast_in_dim3A = arith.constant 0 : i32
    %broadcast_in_dim3A_27 = vector.broadcast %broadcast_in_dim3A : i32 to vector<16xi32>
    %broadcast_in_dim3A_28 = arith.constant 0xFF800000 : f32
    %broadcast_in_dim3A_29 = vector.broadcast %broadcast_in_dim3A_28 : f32 to vector<16xf32>
    %gather3A = tpu.vector_load_idx %arg5[%iota3A, %broadcast_in_dim3A_27] : memref<16x16xf32, #tpu.memory_space<vmem>>[vector<16xi32>, vector<16xi32>], vector<16xf32>,
    %scan3A = arith.constant 1 : i32
    %scan3A_30 = arith.constant 15 : i32
    %scan3A_31 = arith.addi %scan3A, %scan3A_30 : i32
    %scan3A_32 = arith.constant 1 : i32
    %scan3A_33:4 = scf.for %scan3A_193 = %scan3A to %scan3A_31 step %scan3A_32 iter_args(%scan3A_194 = %gather3A, %scan3A_195 = %broadcast_in_dim3A_27, %scan3A_196 = %broadcast_in_dim3A_29, %scan3A_197 = %broadcast_in_dim3A_27) -> (vector<16xf32>, vector<16xi32>, vector<16xf32>, vector<16xi32>)  : i32 {
      %add3A_198 = vector.broadcast %scan3A_193 : i32 to vector<16xi32>
      %add3A_199 = arith.addi %broadcast_in_dim3A_27, %add3A_198 : vector<16xi32>
      %gather3A_200 = tpu.vector_load_idx %arg5[%iota3A, %add3A_199] : memref<16x16xf32, #tpu.memory_space<vmem>>[vector<16xi32>, vector<16xi32>], vector<16xf32>,
      %gt3A = arith.cmpf ogt, %gather3A_200, %scan3A_194 : vector<16xf32>
      %gt3A_201 = arith.cmpf ogt, %gather3A_200, %scan3A_196 : vector<16xf32>
      %broadcast_in_dim3A_202 = vector.broadcast %scan3A_193 : i32 to vector<16xi32>
      %select_n3A = arith.select %gt3A_201, %broadcast_in_dim3A_202, %scan3A_197 : vector<16xi1>, vector<16xi32>
      %select_n3A_203 = arith.select %gt3A, %scan3A_195, %select_n3A : vector<16xi1>, vector<16xi32>
      %select_n3A_204 = arith.select %gt3A_201, %gather3A_200, %scan3A_196 : vector<16xi1>, vector<16xf32>
      %select_n3A_205 = arith.select %gt3A, %scan3A_194, %select_n3A_204 : vector<16xi1>, vector<16xf32>
      %broadcast_in_dim3A_206 = vector.broadcast %scan3A_193 : i32 to vector<16xi32>
      %select_n3A_207 = arith.select %gt3A, %broadcast_in_dim3A_206, %scan3A_195 : vector<16xi1>, vector<16xi32>
      %select_n3A_208 = arith.select %gt3A, %gather3A_200, %scan3A_194 : vector<16xi1>, vector<16xf32>
      scf.yield %select_n3A_208, %select_n3A_207, %select_n3A_205, %select_n3A_203 : vector<16xf32>, vector<16xi32>, vector<16xf32>, vector<16xi32>
    }
    %scan3A_34 = arith.constant 15 : i32
    %sub3A = arith.subf %scan3A_33#2, %scan3A_33#0 : vector<16xf32>
    %exp3A = math.exp %sub3A : vector<16xf32>
    %add3A_35 = arith.constant 1.000000e+00 : f32
    %add3A_36 = vector.broadcast %add3A_35 : f32 to vector<16xf32>
    %add3A_37 = arith.addf %add3A_36, %exp3A : vector<16xf32>
    %div3A = arith.constant 1.000000e+00 : f32
    %div3A_38 = vector.broadcast %div3A : f32 to vector<16xf32>
    %div3A_39 = arith.divf %div3A_38, %add3A_37 : vector<16xf32>
    %sub3A_40 = arith.constant 1.000000e+00 : f32
    %sub3A_41 = vector.broadcast %sub3A_40 : f32 to vector<16xf32>
    %sub3A_42 = arith.subf %sub3A_41, %div3A_39 : vector<16xf32>
    %mul3A_43 = arith.constant 4 : i32
    %mul3A_44 = vector.broadcast %mul3A_43 : i32 to vector<16xi32>
    %mul3A_45 = arith.muli %scan3A_33#1, %mul3A_44 : vector<16xi32>
    %gather3A_46 = tpu.vector_load_idx %arg6[%iota3A, %mul3A_45] : memref<16x64xf32, #tpu.memory_space<vmem>>[vector<16xi32>, vector<16xi32>], vector<16xf32>,
    %scan3A_47 = arith.constant 1 : i32
    %scan3A_48 = arith.constant 3 : i32
    %scan3A_49 = arith.addi %scan3A_47, %scan3A_48 : i32
    %scan3A_50 = arith.constant 1 : i32
    %scan3A_51:4 = scf.for %scan3A_193 = %scan3A_47 to %scan3A_49 step %scan3A_50 iter_args(%scan3A_194 = %gather3A_46, %scan3A_195 = %broadcast_in_dim3A_27, %scan3A_196 = %broadcast_in_dim3A_29, %scan3A_197 = %broadcast_in_dim3A_27) -> (vector<16xf32>, vector<16xi32>, vector<16xf32>, vector<16xi32>)  : i32 {
      %add3A_198 = vector.broadcast %scan3A_193 : i32 to vector<16xi32>
      %add3A_199 = arith.addi %mul3A_45, %add3A_198 : vector<16xi32>
      %gather3A_200 = tpu.vector_load_idx %arg6[%iota3A, %add3A_199] : memref<16x64xf32, #tpu.memory_space<vmem>>[vector<16xi32>, vector<16xi32>], vector<16xf32>,
      %gt3A = arith.cmpf ogt, %gather3A_200, %scan3A_194 : vector<16xf32>
      %gt3A_201 = arith.cmpf ogt, %gather3A_200, %scan3A_196 : vector<16xf32>
      %broadcast_in_dim3A_202 = vector.broadcast %scan3A_193 : i32 to vector<16xi32>
      %select_n3A = arith.select %gt3A_201, %broadcast_in_dim3A_202, %scan3A_197 : vector<16xi1>, vector<16xi32>
      %select_n3A_203 = arith.select %gt3A, %scan3A_195, %select_n3A : vector<16xi1>, vector<16xi32>
      %select_n3A_204 = arith.select %gt3A_201, %gather3A_200, %scan3A_196 : vector<16xi1>, vector<16xf32>
      %select_n3A_205 = arith.select %gt3A, %scan3A_194, %select_n3A_204 : vector<16xi1>, vector<16xf32>
      %broadcast_in_dim3A_206 = vector.broadcast %scan3A_193 : i32 to vector<16xi32>
      %select_n3A_207 = arith.select %gt3A, %broadcast_in_dim3A_206, %scan3A_195 : vector<16xi1>, vector<16xi32>
      %select_n3A_208 = arith.select %gt3A, %gather3A_200, %scan3A_194 : vector<16xi1>, vector<16xf32>
      scf.yield %select_n3A_208, %select_n3A_207, %select_n3A_205, %select_n3A_203 : vector<16xf32>, vector<16xi32>, vector<16xf32>, vector<16xi32>
    }
    %scan3A_52 = arith.constant 3 : i32
    %add3A_53 = arith.addi %mul3A_45, %scan3A_51#1 : vector<16xi32>
    %add3A_54 = arith.addi %mul3A_45, %scan3A_51#3 : vector<16xi32>
    %mul3A_55 = arith.constant 4 : i32
    %mul3A_56 = vector.broadcast %mul3A_55 : i32 to vector<16xi32>
    %mul3A_57 = arith.muli %scan3A_33#3, %mul3A_56 : vector<16xi32>
    %gather3A_58 = tpu.vector_load_idx %arg6[%iota3A, %mul3A_57] : memref<16x64xf32, #tpu.memory_space<vmem>>[vector<16xi32>, vector<16xi32>], vector<16xf32>,
    %scan3A_59 = arith.constant 1 : i32
    %scan3A_60 = arith.constant 3 : i32
    %scan3A_61 = arith.addi %scan3A_59, %scan3A_60 : i32
    %scan3A_62 = arith.constant 1 : i32
    %scan3A_63:4 = scf.for %scan3A_193 = %scan3A_59 to %scan3A_61 step %scan3A_62 iter_args(%scan3A_194 = %gather3A_58, %scan3A_195 = %broadcast_in_dim3A_27, %scan3A_196 = %broadcast_in_dim3A_29, %scan3A_197 = %broadcast_in_dim3A_27) -> (vector<16xf32>, vector<16xi32>, vector<16xf32>, vector<16xi32>)  : i32 {
      %add3A_198 = vector.broadcast %scan3A_193 : i32 to vector<16xi32>
      %add3A_199 = arith.addi %mul3A_57, %add3A_198 : vector<16xi32>
      %gather3A_200 = tpu.vector_load_idx %arg6[%iota3A, %add3A_199] : memref<16x64xf32, #tpu.memory_space<vmem>>[vector<16xi32>, vector<16xi32>], vector<16xf32>,
      %gt3A = arith.cmpf ogt, %gather3A_200, %scan3A_194 : vector<16xf32>
      %gt3A_201 = arith.cmpf ogt, %gather3A_200, %scan3A_196 : vector<16xf32>
      %broadcast_in_dim3A_202 = vector.broadcast %scan3A_193 : i32 to vector<16xi32>
      %select_n3A = arith.select %gt3A_201, %broadcast_in_dim3A_202, %scan3A_197 : vector<16xi1>, vector<16xi32>
      %select_n3A_203 = arith.select %gt3A, %scan3A_195, %select_n3A : vector<16xi1>, vector<16xi32>
      %select_n3A_204 = arith.select %gt3A_201, %gather3A_200, %scan3A_196 : vector<16xi1>, vector<16xf32>
      %select_n3A_205 = arith.select %gt3A, %scan3A_194, %select_n3A_204 : vector<16xi1>, vector<16xf32>
      %broadcast_in_dim3A_206 = vector.broadcast %scan3A_193 : i32 to vector<16xi32>
      %select_n3A_207 = arith.select %gt3A, %broadcast_in_dim3A_206, %scan3A_195 : vector<16xi1>, vector<16xi32>
      %select_n3A_208 = arith.select %gt3A, %gather3A_200, %scan3A_194 : vector<16xi1>, vector<16xf32>
      scf.yield %select_n3A_208, %select_n3A_207, %select_n3A_205, %select_n3A_203 : vector<16xf32>, vector<16xi32>, vector<16xf32>, vector<16xi32>
    }
    %scan3A_64 = arith.constant 3 : i32
    %add3A_65 = arith.addi %mul3A_57, %scan3A_63#1 : vector<16xi32>
    %add3A_66 = arith.addi %mul3A_57, %scan3A_63#3 : vector<16xi32>
    %convert_element_type3A = arith.sitofp %add3A_53 : vector<16xi32> to vector<16xf32>
    %convert_element_type3A_67 = arith.sitofp %add3A_54 : vector<16xi32> to vector<16xf32>
    %convert_element_type3A_68 = arith.sitofp %add3A_65 : vector<16xi32> to vector<16xf32>
    %convert_element_type3A_69 = arith.sitofp %add3A_66 : vector<16xi32> to vector<16xf32>
    %add3A_70 = arith.constant 0 : i32
    %add3A_71 = vector.broadcast %add3A_70 : i32 to vector<16xi32>
    %add3A_72 = arith.addi %broadcast_in_dim3A_27, %add3A_71 : vector<16xi32>
    tpu.vector_store_idx %arg7[%iota3A, %add3A_72], %div3A_39 : memref<16x8xf32, #tpu.memory_space<vmem>>[vector<16xi32>, vector<16xi32>], vector<16xf32>,
    %add3A_73 = arith.constant 1 : i32
    %add3A_74 = vector.broadcast %add3A_73 : i32 to vector<16xi32>
    %add3A_75 = arith.addi %broadcast_in_dim3A_27, %add3A_74 : vector<16xi32>
    tpu.vector_store_idx %arg7[%iota3A, %add3A_75], %div3A_39 : memref<16x8xf32, #tpu.memory_space<vmem>>[vector<16xi32>, vector<16xi32>], vector<16xf32>,
    %add3A_76 = arith.constant 2 : i32
    %add3A_77 = vector.broadcast %add3A_76 : i32 to vector<16xi32>
    %add3A_78 = arith.addi %broadcast_in_dim3A_27, %add3A_77 : vector<16xi32>
    tpu.vector_store_idx %arg7[%iota3A, %add3A_78], %sub3A_42 : memref<16x8xf32, #tpu.memory_space<vmem>>[vector<16xi32>, vector<16xi32>], vector<16xf32>,
    %add3A_79 = arith.constant 3 : i32
    %add3A_80 = vector.broadcast %add3A_79 : i32 to vector<16xi32>
    %add3A_81 = arith.addi %broadcast_in_dim3A_27, %add3A_80 : vector<16xi32>
    tpu.vector_store_idx %arg7[%iota3A, %add3A_81], %sub3A_42 : memref<16x8xf32, #tpu.memory_space<vmem>>[vector<16xi32>, vector<16xi32>], vector<16xf32>,
    %add3A_82 = arith.constant 4 : i32
    %add3A_83 = vector.broadcast %add3A_82 : i32 to vector<16xi32>
    %add3A_84 = arith.addi %broadcast_in_dim3A_27, %add3A_83 : vector<16xi32>
    tpu.vector_store_idx %arg7[%iota3A, %add3A_84], %convert_element_type3A : memref<16x8xf32, #tpu.memory_space<vmem>>[vector<16xi32>, vector<16xi32>], vector<16xf32>,
    %add3A_85 = arith.constant 5 : i32
    %add3A_86 = vector.broadcast %add3A_85 : i32 to vector<16xi32>
    %add3A_87 = arith.addi %broadcast_in_dim3A_27, %add3A_86 : vector<16xi32>
    tpu.vector_store_idx %arg7[%iota3A, %add3A_87], %convert_element_type3A_67 : memref<16x8xf32, #tpu.memory_space<vmem>>[vector<16xi32>, vector<16xi32>], vector<16xf32>,
    %add3A_88 = arith.constant 6 : i32
    %add3A_89 = vector.broadcast %add3A_88 : i32 to vector<16xi32>
    %add3A_90 = arith.addi %broadcast_in_dim3A_27, %add3A_89 : vector<16xi32>
    tpu.vector_store_idx %arg7[%iota3A, %add3A_90], %convert_element_type3A_68 : memref<16x8xf32, #tpu.memory_space<vmem>>[vector<16xi32>, vector<16xi32>], vector<16xf32>,
    %add3A_91 = arith.constant 7 : i32
    %add3A_92 = vector.broadcast %add3A_91 : i32 to vector<16xi32>
    %add3A_93 = arith.addi %broadcast_in_dim3A_27, %add3A_92 : vector<16xi32>
    tpu.vector_store_idx %arg7[%iota3A, %add3A_93], %convert_element_type3A_69 : memref<16x8xf32, #tpu.memory_space<vmem>>[vector<16xi32>, vector<16xi32>], vector<16xf32>,
    %dma_start3A_94 = arith.constant 0 : i32
    %dma_start3A_95 = tpu.memref_slice %arg4[%multiple_of3A, %dma_start3A_94] : memref<512x8xf32, #tpu.memory_space<hbm>> -> memref<16x8xf32, #tpu.memory_space<hbm>>
    %dma_start3A_96 = arith.constant 0 : i32
    %dma_start3A_97 = tpu.memref_slice %arg4[%multiple_of3A, %dma_start3A_96] : memref<512x8xf32, #tpu.memory_space<hbm>> -> memref<16x8xf32, #tpu.memory_space<hbm>>
    tpu.enqueue_dma source(%arg7 : memref<16x8xf32, #tpu.memory_space<vmem>>) target(%dma_start3A_97 : memref<16x8xf32, #tpu.memory_space<hbm>>) target_semaphore(%arg15 : memref<!tpu.dma_semaphore, #tpu.memory_space<semaphore_mem>>)
    %dma_wait3A_98 = arith.constant 0 : i32
    %dma_wait3A_99 = tpu.memref_slice %arg2[%multiple_of3A_4, %dma_wait3A_98] : memref<512x16xf32, #tpu.memory_space<hbm>> -> memref<16x16xf32, #tpu.memory_space<hbm>>
    %dma_wait3A_100 = arith.constant 0 : i32
    %dma_wait3A_101 = tpu.memref_slice %arg2[%multiple_of3A_4, %dma_wait3A_100] : memref<512x16xf32, #tpu.memory_space<hbm>> -> memref<16x16xf32, #tpu.memory_space<hbm>>
    tpu.wait_dma2 semaphore(%arg13 : memref<!tpu.dma_semaphore, #tpu.memory_space<semaphore_mem>>) src(%dma_wait3A_101 : memref<16x16xf32, #tpu.memory_space<hbm>>) dst(%arg8 : memref<16x16xf32, #tpu.memory_space<vmem>>)
    %dma_wait3A_102 = arith.constant 0 : i32
    %dma_wait3A_103 = tpu.memref_slice %arg3[%multiple_of3A_4, %dma_wait3A_102] : memref<512x64xf32, #tpu.memory_space<hbm>> -> memref<16x64xf32, #tpu.memory_space<hbm>>
    %dma_wait3A_104 = arith.constant 0 : i32
    %dma_wait3A_105 = tpu.memref_slice %arg3[%multiple_of3A_4, %dma_wait3A_104] : memref<512x64xf32, #tpu.memory_space<hbm>> -> memref<16x64xf32, #tpu.memory_space<hbm>>
    tpu.wait_dma2 semaphore(%arg14 : memref<!tpu.dma_semaphore, #tpu.memory_space<semaphore_mem>>) src(%dma_wait3A_105 : memref<16x64xf32, #tpu.memory_space<hbm>>) dst(%arg9 : memref<16x64xf32, #tpu.memory_space<vmem>>)
    %iota3A_106 = tpu.iota {dimensions = array<i32: 0>} : vector<16xi32>
    %broadcast_in_dim3A_107 = arith.constant 0 : i32
    %broadcast_in_dim3A_108 = vector.broadcast %broadcast_in_dim3A_107 : i32 to vector<16xi32>
    %broadcast_in_dim3A_109 = arith.constant 0xFF800000 : f32
    %broadcast_in_dim3A_110 = vector.broadcast %broadcast_in_dim3A_109 : f32 to vector<16xf32>
    %gather3A_111 = tpu.vector_load_idx %arg8[%iota3A_106, %broadcast_in_dim3A_108] : memref<16x16xf32, #tpu.memory_space<vmem>>[vector<16xi32>, vector<16xi32>], vector<16xf32>,
    %scan3A_112 = arith.constant 1 : i32
    %scan3A_113 = arith.constant 15 : i32
    %scan3A_114 = arith.addi %scan3A_112, %scan3A_113 : i32
    %scan3A_115 = arith.constant 1 : i32
    %scan3A_116:4 = scf.for %scan3A_193 = %scan3A_112 to %scan3A_114 step %scan3A_115 iter_args(%scan3A_194 = %gather3A_111, %scan3A_195 = %broadcast_in_dim3A_108, %scan3A_196 = %broadcast_in_dim3A_110, %scan3A_197 = %broadcast_in_dim3A_108) -> (vector<16xf32>, vector<16xi32>, vector<16xf32>, vector<16xi32>)  : i32 {
      %add3A_198 = vector.broadcast %scan3A_193 : i32 to vector<16xi32>
      %add3A_199 = arith.addi %broadcast_in_dim3A_108, %add3A_198 : vector<16xi32>
      %gather3A_200 = tpu.vector_load_idx %arg8[%iota3A_106, %add3A_199] : memref<16x16xf32, #tpu.memory_space<vmem>>[vector<16xi32>, vector<16xi32>], vector<16xf32>,
      %gt3A = arith.cmpf ogt, %gather3A_200, %scan3A_194 : vector<16xf32>
      %gt3A_201 = arith.cmpf ogt, %gather3A_200, %scan3A_196 : vector<16xf32>
      %broadcast_in_dim3A_202 = vector.broadcast %scan3A_193 : i32 to vector<16xi32>
      %select_n3A = arith.select %gt3A_201, %broadcast_in_dim3A_202, %scan3A_197 : vector<16xi1>, vector<16xi32>
      %select_n3A_203 = arith.select %gt3A, %scan3A_195, %select_n3A : vector<16xi1>, vector<16xi32>
      %select_n3A_204 = arith.select %gt3A_201, %gather3A_200, %scan3A_196 : vector<16xi1>, vector<16xf32>
      %select_n3A_205 = arith.select %gt3A, %scan3A_194, %select_n3A_204 : vector<16xi1>, vector<16xf32>
      %broadcast_in_dim3A_206 = vector.broadcast %scan3A_193 : i32 to vector<16xi32>
      %select_n3A_207 = arith.select %gt3A, %broadcast_in_dim3A_206, %scan3A_195 : vector<16xi1>, vector<16xi32>
      %select_n3A_208 = arith.select %gt3A, %gather3A_200, %scan3A_194 : vector<16xi1>, vector<16xf32>
      scf.yield %select_n3A_208, %select_n3A_207, %select_n3A_205, %select_n3A_203 : vector<16xf32>, vector<16xi32>, vector<16xf32>, vector<16xi32>
    }
    %scan3A_117 = arith.constant 15 : i32
    %sub3A_118 = arith.subf %scan3A_116#2, %scan3A_116#0 : vector<16xf32>
    %exp3A_119 = math.exp %sub3A_118 : vector<16xf32>
    %add3A_120 = arith.constant 1.000000e+00 : f32
    %add3A_121 = vector.broadcast %add3A_120 : f32 to vector<16xf32>
    %add3A_122 = arith.addf %add3A_121, %exp3A_119 : vector<16xf32>
    %div3A_123 = arith.constant 1.000000e+00 : f32
    %div3A_124 = vector.broadcast %div3A_123 : f32 to vector<16xf32>
    %div3A_125 = arith.divf %div3A_124, %add3A_122 : vector<16xf32>
    %sub3A_126 = arith.constant 1.000000e+00 : f32
    %sub3A_127 = vector.broadcast %sub3A_126 : f32 to vector<16xf32>
    %sub3A_128 = arith.subf %sub3A_127, %div3A_125 : vector<16xf32>
    %mul3A_129 = arith.constant 4 : i32
    %mul3A_130 = vector.broadcast %mul3A_129 : i32 to vector<16xi32>
    %mul3A_131 = arith.muli %scan3A_116#1, %mul3A_130 : vector<16xi32>
    %gather3A_132 = tpu.vector_load_idx %arg9[%iota3A_106, %mul3A_131] : memref<16x64xf32, #tpu.memory_space<vmem>>[vector<16xi32>, vector<16xi32>], vector<16xf32>,
    %scan3A_133 = arith.constant 1 : i32
    %scan3A_134 = arith.constant 3 : i32
    %scan3A_135 = arith.addi %scan3A_133, %scan3A_134 : i32
    %scan3A_136 = arith.constant 1 : i32
    %scan3A_137:4 = scf.for %scan3A_193 = %scan3A_133 to %scan3A_135 step %scan3A_136 iter_args(%scan3A_194 = %gather3A_132, %scan3A_195 = %broadcast_in_dim3A_108, %scan3A_196 = %broadcast_in_dim3A_110, %scan3A_197 = %broadcast_in_dim3A_108) -> (vector<16xf32>, vector<16xi32>, vector<16xf32>, vector<16xi32>)  : i32 {
      %add3A_198 = vector.broadcast %scan3A_193 : i32 to vector<16xi32>
      %add3A_199 = arith.addi %mul3A_131, %add3A_198 : vector<16xi32>
      %gather3A_200 = tpu.vector_load_idx %arg9[%iota3A_106, %add3A_199] : memref<16x64xf32, #tpu.memory_space<vmem>>[vector<16xi32>, vector<16xi32>], vector<16xf32>,
      %gt3A = arith.cmpf ogt, %gather3A_200, %scan3A_194 : vector<16xf32>
      %gt3A_201 = arith.cmpf ogt, %gather3A_200, %scan3A_196 : vector<16xf32>
      %broadcast_in_dim3A_202 = vector.broadcast %scan3A_193 : i32 to vector<16xi32>
      %select_n3A = arith.select %gt3A_201, %broadcast_in_dim3A_202, %scan3A_197 : vector<16xi1>, vector<16xi32>
      %select_n3A_203 = arith.select %gt3A, %scan3A_195, %select_n3A : vector<16xi1>, vector<16xi32>
      %select_n3A_204 = arith.select %gt3A_201, %gather3A_200, %scan3A_196 : vector<16xi1>, vector<16xf32>
      %select_n3A_205 = arith.select %gt3A, %scan3A_194, %select_n3A_204 : vector<16xi1>, vector<16xf32>
      %broadcast_in_dim3A_206 = vector.broadcast %scan3A_193 : i32 to vector<16xi32>
      %select_n3A_207 = arith.select %gt3A, %broadcast_in_dim3A_206, %scan3A_195 : vector<16xi1>, vector<16xi32>
      %select_n3A_208 = arith.select %gt3A, %gather3A_200, %scan3A_194 : vector<16xi1>, vector<16xf32>
      scf.yield %select_n3A_208, %select_n3A_207, %select_n3A_205, %select_n3A_203 : vector<16xf32>, vector<16xi32>, vector<16xf32>, vector<16xi32>
    }
    %scan3A_138 = arith.constant 3 : i32
    %add3A_139 = arith.addi %mul3A_131, %scan3A_137#1 : vector<16xi32>
    %add3A_140 = arith.addi %mul3A_131, %scan3A_137#3 : vector<16xi32>
    %mul3A_141 = arith.constant 4 : i32
    %mul3A_142 = vector.broadcast %mul3A_141 : i32 to vector<16xi32>
    %mul3A_143 = arith.muli %scan3A_116#3, %mul3A_142 : vector<16xi32>
    %gather3A_144 = tpu.vector_load_idx %arg9[%iota3A_106, %mul3A_143] : memref<16x64xf32, #tpu.memory_space<vmem>>[vector<16xi32>, vector<16xi32>], vector<16xf32>,
    %scan3A_145 = arith.constant 1 : i32
    %scan3A_146 = arith.constant 3 : i32
    %scan3A_147 = arith.addi %scan3A_145, %scan3A_146 : i32
    %scan3A_148 = arith.constant 1 : i32
    %scan3A_149:4 = scf.for %scan3A_193 = %scan3A_145 to %scan3A_147 step %scan3A_148 iter_args(%scan3A_194 = %gather3A_144, %scan3A_195 = %broadcast_in_dim3A_108, %scan3A_196 = %broadcast_in_dim3A_110, %scan3A_197 = %broadcast_in_dim3A_108) -> (vector<16xf32>, vector<16xi32>, vector<16xf32>, vector<16xi32>)  : i32 {
      %add3A_198 = vector.broadcast %scan3A_193 : i32 to vector<16xi32>
      %add3A_199 = arith.addi %mul3A_143, %add3A_198 : vector<16xi32>
      %gather3A_200 = tpu.vector_load_idx %arg9[%iota3A_106, %add3A_199] : memref<16x64xf32, #tpu.memory_space<vmem>>[vector<16xi32>, vector<16xi32>], vector<16xf32>,
      %gt3A = arith.cmpf ogt, %gather3A_200, %scan3A_194 : vector<16xf32>
      %gt3A_201 = arith.cmpf ogt, %gather3A_200, %scan3A_196 : vector<16xf32>
      %broadcast_in_dim3A_202 = vector.broadcast %scan3A_193 : i32 to vector<16xi32>
      %select_n3A = arith.select %gt3A_201, %broadcast_in_dim3A_202, %scan3A_197 : vector<16xi1>, vector<16xi32>
      %select_n3A_203 = arith.select %gt3A, %scan3A_195, %select_n3A : vector<16xi1>, vector<16xi32>
      %select_n3A_204 = arith.select %gt3A_201, %gather3A_200, %scan3A_196 : vector<16xi1>, vector<16xf32>
      %select_n3A_205 = arith.select %gt3A, %scan3A_194, %select_n3A_204 : vector<16xi1>, vector<16xf32>
      %broadcast_in_dim3A_206 = vector.broadcast %scan3A_193 : i32 to vector<16xi32>
      %select_n3A_207 = arith.select %gt3A, %broadcast_in_dim3A_206, %scan3A_195 : vector<16xi1>, vector<16xi32>
      %select_n3A_208 = arith.select %gt3A, %gather3A_200, %scan3A_194 : vector<16xi1>, vector<16xf32>
      scf.yield %select_n3A_208, %select_n3A_207, %select_n3A_205, %select_n3A_203 : vector<16xf32>, vector<16xi32>, vector<16xf32>, vector<16xi32>
    }
    %scan3A_150 = arith.constant 3 : i32
    %add3A_151 = arith.addi %mul3A_143, %scan3A_149#1 : vector<16xi32>
    %add3A_152 = arith.addi %mul3A_143, %scan3A_149#3 : vector<16xi32>
    %convert_element_type3A_153 = arith.sitofp %add3A_139 : vector<16xi32> to vector<16xf32>
    %convert_element_type3A_154 = arith.sitofp %add3A_140 : vector<16xi32> to vector<16xf32>
    %convert_element_type3A_155 = arith.sitofp %add3A_151 : vector<16xi32> to vector<16xf32>
    %convert_element_type3A_156 = arith.sitofp %add3A_152 : vector<16xi32> to vector<16xf32>
    %add3A_157 = arith.constant 0 : i32
    %add3A_158 = vector.broadcast %add3A_157 : i32 to vector<16xi32>
    %add3A_159 = arith.addi %broadcast_in_dim3A_108, %add3A_158 : vector<16xi32>
    tpu.vector_store_idx %arg10[%iota3A_106, %add3A_159], %div3A_125 : memref<16x8xf32, #tpu.memory_space<vmem>>[vector<16xi32>, vector<16xi32>], vector<16xf32>,
    %add3A_160 = arith.constant 1 : i32
    %add3A_161 = vector.broadcast %add3A_160 : i32 to vector<16xi32>
    %add3A_162 = arith.addi %broadcast_in_dim3A_108, %add3A_161 : vector<16xi32>
    tpu.vector_store_idx %arg10[%iota3A_106, %add3A_162], %div3A_125 : memref<16x8xf32, #tpu.memory_space<vmem>>[vector<16xi32>, vector<16xi32>], vector<16xf32>,
    %add3A_163 = arith.constant 2 : i32
    %add3A_164 = vector.broadcast %add3A_163 : i32 to vector<16xi32>
    %add3A_165 = arith.addi %broadcast_in_dim3A_108, %add3A_164 : vector<16xi32>
    tpu.vector_store_idx %arg10[%iota3A_106, %add3A_165], %sub3A_128 : memref<16x8xf32, #tpu.memory_space<vmem>>[vector<16xi32>, vector<16xi32>], vector<16xf32>,
    %add3A_166 = arith.constant 3 : i32
    %add3A_167 = vector.broadcast %add3A_166 : i32 to vector<16xi32>
    %add3A_168 = arith.addi %broadcast_in_dim3A_108, %add3A_167 : vector<16xi32>
    tpu.vector_store_idx %arg10[%iota3A_106, %add3A_168], %sub3A_128 : memref<16x8xf32, #tpu.memory_space<vmem>>[vector<16xi32>, vector<16xi32>], vector<16xf32>,
    %add3A_169 = arith.constant 4 : i32
    %add3A_170 = vector.broadcast %add3A_169 : i32 to vector<16xi32>
    %add3A_171 = arith.addi %broadcast_in_dim3A_108, %add3A_170 : vector<16xi32>
    tpu.vector_store_idx %arg10[%iota3A_106, %add3A_171], %convert_element_type3A_153 : memref<16x8xf32, #tpu.memory_space<vmem>>[vector<16xi32>, vector<16xi32>], vector<16xf32>,
    %add3A_172 = arith.constant 5 : i32
    %add3A_173 = vector.broadcast %add3A_172 : i32 to vector<16xi32>
    %add3A_174 = arith.addi %broadcast_in_dim3A_108, %add3A_173 : vector<16xi32>
    tpu.vector_store_idx %arg10[%iota3A_106, %add3A_174], %convert_element_type3A_154 : memref<16x8xf32, #tpu.memory_space<vmem>>[vector<16xi32>, vector<16xi32>], vector<16xf32>,
    %add3A_175 = arith.constant 6 : i32
    %add3A_176 = vector.broadcast %add3A_175 : i32 to vector<16xi32>
    %add3A_177 = arith.addi %broadcast_in_dim3A_108, %add3A_176 : vector<16xi32>
    tpu.vector_store_idx %arg10[%iota3A_106, %add3A_177], %convert_element_type3A_155 : memref<16x8xf32, #tpu.memory_space<vmem>>[vector<16xi32>, vector<16xi32>], vector<16xf32>,
    %add3A_178 = arith.constant 7 : i32
    %add3A_179 = vector.broadcast %add3A_178 : i32 to vector<16xi32>
    %add3A_180 = arith.addi %broadcast_in_dim3A_108, %add3A_179 : vector<16xi32>
    tpu.vector_store_idx %arg10[%iota3A_106, %add3A_180], %convert_element_type3A_156 : memref<16x8xf32, #tpu.memory_space<vmem>>[vector<16xi32>, vector<16xi32>], vector<16xf32>,
    %dma_start3A_181 = arith.constant 0 : i32
    %dma_start3A_182 = tpu.memref_slice %arg4[%multiple_of3A_4, %dma_start3A_181] : memref<512x8xf32, #tpu.memory_space<hbm>> -> memref<16x8xf32, #tpu.memory_space<hbm>>
    %dma_start3A_183 = arith.constant 0 : i32
    %dma_start3A_184 = tpu.memref_slice %arg4[%multiple_of3A_4, %dma_start3A_183] : memref<512x8xf32, #tpu.memory_space<hbm>> -> memref<16x8xf32, #tpu.memory_space<hbm>>
    tpu.enqueue_dma source(%arg10 : memref<16x8xf32, #tpu.memory_space<vmem>>) target(%dma_start3A_184 : memref<16x8xf32, #tpu.memory_space<hbm>>) target_semaphore(%arg15 : memref<!tpu.dma_semaphore, #tpu.memory_space<semaphore_mem>>)
    %dma_wait3A_185 = arith.constant 0 : i32
    %dma_wait3A_186 = tpu.memref_slice %arg4[%multiple_of3A, %dma_wait3A_185] : memref<512x8xf32, #tpu.memory_space<hbm>> -> memref<16x8xf32, #tpu.memory_space<hbm>>
    %dma_wait3A_187 = arith.constant 0 : i32
    %dma_wait3A_188 = tpu.memref_slice %arg4[%multiple_of3A, %dma_wait3A_187] : memref<512x8xf32, #tpu.memory_space<hbm>> -> memref<16x8xf32, #tpu.memory_space<hbm>>
    tpu.wait_dma2 semaphore(%arg15 : memref<!tpu.dma_semaphore, #tpu.memory_space<semaphore_mem>>) src(%arg7 : memref<16x8xf32, #tpu.memory_space<vmem>>) dst(%dma_wait3A_188 : memref<16x8xf32, #tpu.memory_space<hbm>>)
    %dma_wait3A_189 = arith.constant 0 : i32
    %dma_wait3A_190 = tpu.memref_slice %arg4[%multiple_of3A_4, %dma_wait3A_189] : memref<512x8xf32, #tpu.memory_space<hbm>> -> memref<16x8xf32, #tpu.memory_space<hbm>>
    %dma_wait3A_191 = arith.constant 0 : i32
    %dma_wait3A_192 = tpu.memref_slice %arg4[%multiple_of3A_4, %dma_wait3A_191] : memref<512x8xf32, #tpu.memory_space<hbm>> -> memref<16x8xf32, #tpu.memory_space<hbm>>
    tpu.wait_dma2 semaphore(%arg15 : memref<!tpu.dma_semaphore, #tpu.memory_space<semaphore_mem>>) src(%arg10 : memref<16x8xf32, #tpu.memory_space<vmem>>) dst(%dma_wait3A_192 : memref<16x8xf32, #tpu.memory_space<hbm>>)
    return
  }
}

module attributes {stable_mosaic.version = 14 : i64} {
  func.func @_tc_body(%arg0: memref<512x1024xf32, #tpu.memory_space<vmem>>, %arg1: memref<16x1024xf32, #tpu.memory_space<vmem>>, %arg2: memref<1024x1024xf32, #tpu.memory_space<vmem>>, %arg3: memref<1024x1024xf32, #tpu.memory_space<vmem>>, %arg4: memref<1024x64xf32, #tpu.memory_space<vmem>>, %arg5: memref<512x16xf32, #tpu.memory_space<vmem>>, %arg6: memref<512x64xf32, #tpu.memory_space<vmem>>) attributes {dimension_semantics = [], scalar_prefetch = 0 : i64, scratch_operands = 0 : i64, tpu.core_type = #tpu.core_type<tc>} {
    %get3A = arith.constant 0 : index
    %get3A_0 = arith.constant 0 : index
    %get3A_1 = vector.load %arg0[%get3A, %get3A_0] : memref<512x1024xf32, #tpu.memory_space<vmem>>, vector<512x1024xf32>
    %convert_element_type3A = arith.truncf %get3A_1 : vector<512x1024xf32> to vector<512x1024xbf16>
    %get3A_2 = arith.constant 0 : index
    %get3A_3 = arith.constant 0 : index
    %get3A_4 = vector.load %arg1[%get3A_2, %get3A_3] : memref<16x1024xf32, #tpu.memory_space<vmem>>, vector<16x1024xf32>
    %convert_element_type3A_5 = arith.truncf %get3A_4 : vector<16x1024xf32> to vector<16x1024xbf16>
    %dot_general3A = arith.constant dense<0.000000e+00> : vector<512x16xf32>
    %dot_general3A_6 = tpu.matmul %convert_element_type3A, %convert_element_type3A_5, %dot_general3A {dimension_numbers = #tpu.dot_dimension_numbers<[1], [1], [0], [0], [0, 0, 1, 0], [], []>, transpose_lhs_hint = false} : vector<512x1024xbf16>, vector<16x1024xbf16>, vector<512x16xf32> -> vector<512x16xf32>
    %swap3A = arith.constant 0 : index
    %swap3A_7 = arith.constant 0 : index
    %swap3A_8 = vector.load %arg5[%swap3A, %swap3A_7] : memref<512x16xf32, #tpu.memory_space<vmem>>, vector<512x16xf32>
    tpu.vector_store %arg5[%swap3A, %swap3A_7], %dot_general3A_6 {strides = array<i32>} : memref<512x16xf32, #tpu.memory_space<vmem>>, vector<512x16xf32>,
    %get3A_9 = arith.constant 0 : index
    %get3A_10 = arith.constant 0 : index
    %get3A_11 = vector.load %arg2[%get3A_9, %get3A_10] : memref<1024x1024xf32, #tpu.memory_space<vmem>>, vector<1024x1024xf32>
    %convert_element_type3A_12 = arith.truncf %get3A_11 : vector<1024x1024xf32> to vector<1024x1024xbf16>
    %get3A_13 = arith.constant 0 : index
    %get3A_14 = arith.constant 0 : index
    %get3A_15 = vector.load %arg3[%get3A_13, %get3A_14] : memref<1024x1024xf32, #tpu.memory_space<vmem>>, vector<1024x1024xf32>
    %convert_element_type3A_16 = arith.truncf %get3A_15 : vector<1024x1024xf32> to vector<1024x1024xbf16>
    %dot_general3A_17 = arith.constant dense<0.000000e+00> : vector<512x1024xf32>
    %dot_general3A_18 = tpu.matmul %convert_element_type3A, %convert_element_type3A_12, %dot_general3A_17 {dimension_numbers = #tpu.dot_dimension_numbers<[1], [1], [0], [0], [0, 0, 1, 0], [], []>, transpose_lhs_hint = false} : vector<512x1024xbf16>, vector<1024x1024xbf16>, vector<512x1024xf32> -> vector<512x1024xf32>
    %dot_general3A_19 = arith.constant dense<0.000000e+00> : vector<512x1024xf32>
    %dot_general3A_20 = tpu.matmul %convert_element_type3A, %convert_element_type3A_16, %dot_general3A_19 {dimension_numbers = #tpu.dot_dimension_numbers<[1], [1], [0], [0], [0, 0, 1, 0], [], []>, transpose_lhs_hint = false} : vector<512x1024xbf16>, vector<1024x1024xbf16>, vector<512x1024xf32> -> vector<512x1024xf32>
    %logistic3A = arith.negf %dot_general3A_18 : vector<512x1024xf32>
    %logistic3A_21 = math.exp %logistic3A : vector<512x1024xf32>
    %logistic3A_22 = arith.constant 1.000000e+00 : f32
    %logistic3A_23 = vector.broadcast %logistic3A_22 : f32 to vector<512x1024xf32>
    %logistic3A_24 = arith.addf %logistic3A_23, %logistic3A_21 : vector<512x1024xf32>
    %logistic3A_25 = arith.divf %logistic3A_23, %logistic3A_24 : vector<512x1024xf32>
    %mul3A = arith.mulf %dot_general3A_18, %logistic3A_25 : vector<512x1024xf32>
    %mul3A_26 = arith.mulf %dot_general3A_20, %mul3A : vector<512x1024xf32>
    %abs3A = math.absf %mul3A_26 : vector<512x1024xf32>
    %get3A_27 = arith.constant 0 : index
    %get3A_28 = arith.constant 0 : index
    %get3A_29 = vector.load %arg4[%get3A_27, %get3A_28] : memref<1024x64xf32, #tpu.memory_space<vmem>>, vector<1024x64xf32>
    %dot_general3A_30 = arith.constant dense<0.000000e+00> : vector<512x64xf32>
    %dot_general3A_31 = tpu.matmul %abs3A, %get3A_29, %dot_general3A_30 {dimension_numbers = #tpu.dot_dimension_numbers<[1], [0], [0], [1], [0, 0, 1, 1], [], []>, precision = #tpu.contract_precision<fp32>, transpose_lhs_hint = false} : vector<512x1024xf32>, vector<1024x64xf32>, vector<512x64xf32> -> vector<512x64xf32>
    %swap3A_32 = arith.constant 0 : index
    %swap3A_33 = arith.constant 0 : index
    %swap3A_34 = vector.load %arg6[%swap3A_32, %swap3A_33] : memref<512x64xf32, #tpu.memory_space<vmem>>, vector<512x64xf32>
    tpu.vector_store %arg6[%swap3A_32, %swap3A_33], %dot_general3A_31 {strides = array<i32>} : memref<512x64xf32, #tpu.memory_space<vmem>>, vector<512x64xf32>,
    return
  }
}

</mosaic_0001>

<sc_bundles>
// kernel: kernel.4.cloned.1.call-start
scs
__scs_entry_jumppad:
0x0: {  	(pc) =	sbr.rel $0x88, $3  }
0x1: {  	(tag) =	ssettag $0x0;
	lr =	simm.s32 $0x1  }
0x2: {  	[smem:$0x3F9D] =	sst lr;
	_ =	strace $0xD0000000  }
0x3: {  	_ = 	snop  }
0x4: {  	_ = 	snop  }
0x5: {  	_ = 	snop  }
0x6: {  	_ = 	snop  }
0x7: {  	_ = 	snop  }
__scs_overlays_trampoline_lowered:
0x8: {  	[smem:$0x3FAC] =	sst s0  }
0x9: {  	[smem:$0x3FAD] =	sst s1  }
0xa: {  	[smem:$0x3FAE] =	sst s2  }
0xb: {  	[smem:$0x3FAF] =	sst s3  }
0xc: {  	[smem:$0x3FB0] =	sst s4  }
0xd: {  	[smem:$0x3FB1] =	sst s5  }
0xe: {  	[smem:$0x3FB2] =	sst s6  }
0xf: {  	[smem:$0x3FB3] =	sst s7  }
0x10: {  	[smem:$0x3FB4] =	sst s8  }
0x11: {  	[smem:$0x3FB5] =	sst s9;
	s0 =	simm.s32 @!p0 $0x0  }
0x12: {  	s1 =	sld [smem:$0x3F9B];
	s0 =	simm.s32 @p0 $0x1  }
0x13: {  	[smem:$0x3FB6] =	sst s0;
	s0 =	simm.s32 @!p1 $0x0  }
0x14: {  	s2 =	sld [smem:$0x3F9A];
	s0 =	simm.s32 @p1 $0x1  }
0x15: {  	[smem:$0x3FB7] =	sst s0;
	s0 =	simm.s32 @!p2 $0x0  }
0x16: {  	s3 =	sld [smem:$0x3FDB];
	s0 =	simm.s32 @p2 $0x1  }
0x17: {  	s4 =	simm.s32 $0x1BF5;
	[smem:$0x3FB9] =	sst s0  }
0x18: {  	s0 =	sld [smem:$0x3F9C];
	_ =	swait.ge [sflag:s4], $0x0  }
0x19: {  	s7 =	sld [smem:$0x3F9D]  }
0x1a: {  	s8 =	sadd.s32 $0xFFFFE003, lr  }
0x1b: {  	s9 =	sadd.s32 $0xFFFFFEF7, lr;
	s5 =	simm.s32 $0xFFFFFFFF;
	p2 =	slt.u32 s8, $0xFFFFF086  }
0x1c: {  	p1 =	slt.u32 s9, $0xF7A;
	s5 =	simm.s32 @!p2 $0x0  }
0x1d: {  	s5 =	simm.s32 @p1 $0x1;
	p0 =	seq.s32 s7, s2  }
0x1e: {  	s7 =	smul.u32 @!p0 $0xF7A, s2;
	p2 =	seq.s32 @!p0 s5, $0x0  }
0x1f: {  	s9 =	smul.u32 $0xF7A, s1;
	s8 =	simm.s32 @!p0 $0x1BF5;
	p2 =	por !p2, p0  }
0x20: {  	[sflag:s8] =	ssyncset.s32 @!p0 $0xFFFFF086;
	s6 =	sadd.s32 @!p0 s3, s7;
	s7 =	simm.s32 @!p0 $0x108  }
0x21: {  	s3 =	sadd.s32 s3, s9;
	s6 =	sadd.s32 @!p0 $0x88, s6;
	s7 =	simm.s32 @p2 $0x1082  }
0x22: {  	[simem:s7], [sflag:s8] =	dma.local @!p0 [hbm:s6], $0xF7A  }
0x23: {  	s9 =	sor.u32 $0xD0000000, s2;
	s6 =	simm.s32 $0x108;
	_ =	swait.ge @!p0 [sflag:s8], $0x0  }
0x24: {  	s3 =	sadd.s32 $0x88, s3;
	s6 =	simm.s32 @!p1 $0x1082;
	[sflag:s4] =	ssyncset.s32 $0xFFFFF086  }
0x25: {  	[simem:s6], [sflag:s4] =	dma.local [hbm:s3], $0xF7A  }
0x26: {  	[smem:$0x3F9D] =	sst s1;
	(tag) =	ssettag s2;
	_ =	strace s9  }
0x27: {  	s1 =	sld [smem:$0x3FAD]  }
0x28: {  	s2 =	sld [smem:$0x3FAE]  }
0x29: {  	s4 =	sld [smem:$0x3FB0]  }
0x2a: {  	p0 =	seq.s32 s5, $0x0;
	s5 =	sld [smem:$0x3FB1]  }
0x2b: {  	s6 =	sld [smem:$0x3FB2]  }
0x2c: {  	s7 =	sld [smem:$0x3FB3]  }
0x2d: {  	s3 =	simm.s32 $0x108;
	s8 =	sld [smem:$0x3FB4]  }
0x2e: {  	s3 =	simm.s32 @!p0 $0x1082;
	s9 =	sld [smem:$0x3FB5]  }
0x2f: {  	lr =	sadd.s32 s0, s3;
	s0 =	sld [smem:$0x3FAC]  }
0x30: {  	s3 =	sld [smem:$0x3FAF]  }
0x31: {  	[smem:$0x3FB8] =	sst s10  }
0x32: {  	s10 =	sld [smem:$0x3FB6];
	_ =	sdelay $0x3  }
0x33: {  	p0 =	seq.s32 s10, $0x1;
	s10 =	sld [smem:$0x3FB8];
	_ =	sdelay $0x3  }
0x34: {  	[smem:$0x3FB8] =	sst s10  }
0x35: {  	s10 =	sld [smem:$0x3FB7];
	_ =	sdelay $0x3  }
0x36: {  	p1 =	seq.s32 s10, $0x1;
	s10 =	sld [smem:$0x3FB8];
	_ =	sdelay $0x3  }
0x37: {  	[smem:$0x3FB8] =	sst s10  }
0x38: {  	s10 =	sld [smem:$0x3FB9]  }
0x39: {  	_ = 	snop;
	(pc) =	sbr.ind lr, $3  }
0x3a: {  	_ = 	snop  }
0x3b: {  	_ = 	snop  }
0x3c: {  	p2 =	seq.s32 s10, $0x1;
	s10 =	sld [smem:$0x3FB8]  }
0x3d: {  	_ =	shalt  }
0x3e: {  	_ =	shalt  }
0x3f: {  	_ =	shalt  }
0x40: {  	_ =	shalt  }
0x41: {  	_ =	shalt  }
0x42: {  	_ =	shalt  }
0x43: {  	_ =	shalt  }
0x44: {  	_ =	shalt  }
0x45: {  	_ =	shalt  }
0x46: {  	_ =	shalt  }
0x47: {  	_ =	shalt  }
0x48: {  	_ =	shalt  }
0x49: {  	_ =	shalt  }
0x4a: {  	_ =	shalt  }
0x4b: {  	_ =	shalt  }
0x4c: {  	_ =	shalt  }
0x4d: {  	_ =	shalt  }
0x4e: {  	_ =	shalt  }
0x4f: {  	_ =	shalt  }
0x50: {  	_ =	shalt  }
0x51: {  	_ =	shalt  }
0x52: {  	_ =	shalt  }
0x53: {  	_ =	shalt  }
0x54: {  	_ =	shalt  }
0x55: {  	_ =	shalt  }
0x56: {  	_ =	shalt  }
0x57: {  	_ =	shalt  }
0x58: {  	_ =	shalt  }
0x59: {  	_ =	shalt  }
0x5a: {  	_ =	shalt  }
0x5b: {  	_ =	shalt  }
0x5c: {  	_ =	shalt  }
0x5d: {  	_ =	shalt  }
0x5e: {  	_ =	shalt  }
0x5f: {  	_ =	shalt  }
0x60: {  	_ =	shalt  }
0x61: {  	_ =	shalt  }
0x62: {  	_ =	shalt  }
0x63: {  	_ =	shalt  }
0x64: {  	_ =	shalt  }
0x65: {  	_ =	shalt  }
0x66: {  	_ =	shalt  }
0x67: {  	_ =	shalt  }
0x68: {  	_ =	shalt  }
0x69: {  	_ =	shalt  }
0x6a: {  	_ =	shalt  }
0x6b: {  	_ =	shalt  }
0x6c: {  	_ =	shalt  }
0x6d: {  	_ =	shalt  }
0x6e: {  	_ =	shalt  }
0x6f: {  	_ =	shalt  }
0x70: {  	_ =	shalt  }
0x71: {  	_ =	shalt  }
0x72: {  	_ =	shalt  }
0x73: {  	_ =	shalt  }
0x74: {  	_ =	shalt  }
0x75: {  	_ =	shalt  }
0x76: {  	_ =	shalt  }
0x77: {  	_ =	shalt  }
0x78: {  	_ =	shalt  }
0x79: {  	_ =	shalt  }
0x7a: {  	_ =	shalt  }
0x7b: {  	_ =	shalt  }
0x7c: {  	_ =	shalt  }
0x7d: {  	_ =	shalt  }
0x7e: {  	_ =	shalt  }
0x7f: {  	_ =	shalt  }
0x80: {  	_ =	shalt  }
0x81: {  	_ =	shalt  }
0x82: {  	_ =	shalt  }
0x83: {  	_ =	shalt  }
0x84: {  	_ =	shalt  }
0x85: {  	_ =	shalt  }
0x86: {  	_ =	shalt  }
0x87: {  	_ =	shalt  }
.Lfunc_end0:
.L_simem_size_0:
called_computation_lowered:
.L_overlay_start_0:
0x88: {  	s0 =	sld [smem:$0x3FD9]  }
0x89: {  	s1 =	sld [smem:$0x3FFE];
	_ =	sdelay $0x3  }
0x8a: {  	s0 =	sadd.s32 s1, s0  }
0x8b: {  	[smem:$0x3FC4] =	sst s0  }
0x8c: {  	_ = 	snop  }
0x8d: {  	(tm) =	ssettm $0x1  }
0x8e: {  	s15 =	sld [smem:$0x3FFB];
	_ =	sdelay $0x3  }
0x8f: {  	_ =	strace s15  }
0x90: {  	s0 =	sld [smem:$0x3FFC];
	_ =	sdelay $0x3  }
0x91: {  	_ =	strace s0  }
0x92: {  	s0 =	sld [smem:$0x3FFD];
	_ =	sdelay $0x3  }
0x93: {  	_ =	strace s0  }
0x94: {  	_ =	strace $0x8FFFFFFF  }
0x95: {  	s16 =	sld [smem:$0x3FDB];
	_ =	sdelay $0x1  }
0x96: {  	s17 =	simm.s32 $_scs_section_size  }
0x97: {  	s2 =	simm.s32 $_size__tile_overlayer_lowered;
	s3 =	simm.s32 $_tile_overlayer_lowered  }
0x98: {  	s20 =	simm.s32 $0x1BFF;
	s19 =	sshll.u32 s3, $0x1;
	s0 =	sadd.s32 s17, s16  }
0x99: {  	s4 =	simm.s32 $0x0;
	s18 =	sshll.u32 s2, $0x1;
	s2 =	sadd.s32 s19, s0  }
0x9a: {  	[timem:s4], [sflag:s20] =	dma.local [hbm:s2], s18  }
0x9b: {  	_ =	swait.ge [sflag:s20], s18  }
0x9c: {  	s1 =	ssub.s32 $0x0, s18;
	[sflag:s20] =	ssyncset.done $0x0  }
0x9d: {  	[sflag:s20] =	ssyncadd.s32 s1;
	_ =	sdelay $0x1  }
0x9e: {  	s21 =	simm.s32 $0x1B8B  }
0x9f: {  	_ =	swait.ge [sflag:s21], $0x1  }
0xa0: {  	[sflag:s21] =	ssyncset.done $0x0  }
0xa1: {  	s23 =	simm.s32 $0x1B8E;
	s22 =	sld [smem:$0x3FFE];
	[sflag:s21] =	ssyncadd.s32 $0xFFFFFFFF  }
0xa2: {  	s24 =	simm.s32 $execute0_lowered;
	[smem:$0x3FD2] =	sst s23  }
0xa3: {  	s2 =	sshll.u32 s24, $0x1;
	_ =	strace $0x80000046;
	[dreg:$0x1] =	wrdreg $0xFFFFFFFF  }
0xa4: {  	s25 =	simm.s32 $_size_execute0_lowered;
	s0 =	sadd.s32 s0, s2;
	[dreg:$0x0] =	wrdreg $0x0  }
0xa5: {  	s2 =	sshll.u32 s25, $0x1;
	[dreg:$0x2] =	wrdreg s0  }
0xa6: {  	[dreg:$0x3] =	wrdreg s2  }
0xa7: {  	[dreg:$0x4] =	wrdreg $0xC0  }
0xa8: {  	_ =	task [dreg:s4], $0x5FFFF  }
0xa9: {  	[dreg:$0x1] =	wrdreg $0xFFFFFFFF  }
0xaa: {  	[dreg:$0x0] =	wrdreg $0x60  }
0xab: {  	[dreg:$0x2] =	wrdreg s22  }
0xac: {  	[dreg:$0x3] =	wrdreg $0x9  }
0xad: {  	_ =	task.clear_ibuf [dreg:s4], $0x4FFFF;
	_ =	strace $0x90000046  }
0xae: {  	s26 =	simm.s32 $0x9;
	_ =	strace $0x80000048  }
0xaf: {  	_ =	swait.ge [sflag:s26], $0x1  }
0xb0: {  	[sflag:s26] =	ssyncadd.s32 $0xFFFFFFFF  }
0xb1: {  	_ =	strace $0x90000048  }
0xb2: {  	_ =	sfence  }
0xb3: {  	s28 =	sld [smem:$0x0];
	_ =	sdelay $0x1  }
0xb4: {  	s29 =	srdreg.scid  }
0xb5: {  	s30 =	sshll.u32 s29, $0xD;
	s31 =	sshrl.u32 s29, $0x2  }
0xb6: {  	s1 =	sand.u32 $0x1, s29;
	s2 =	sand.u32 $0x4000, s30;
	s0 =	sadd.s32 s31, s28  }
0xb7: {  	s1 =	sor.u32 s2, s1;
	s0 =	sshll.u32 s0, $0x11  }
0xb8: {  	s0 =	sor.u32 s0, s1  }
0xb9: {  	s0 =	sadd.s32 $0x8F2B, s0  }
0xba: {  	[sflag:s0] =	ssyncadd.remote.s32 $0x1  }
0xbb: {  	_ =	sfence.sel $0xFFFF  }
0xbc: {  	[dreg:$0x0] =	wrdreg $0xFFFFFFFF;
	(pc) =	sbr.abs _section_cstart, $3  }
0xbd: {  	[dreg:$0x1] =	wrdreg $0xFFFFFFFF  }
0xbe: {  	_ =	task.clear_ibuf [dreg:s4], $0x2FFFF;
	_ =	strace $0x9FFFFFFF  }
0xbf: {  	(tm) =	ssettm $0x7FFFFFFF  }
tec
execute0_lowered:
.L_overlay_start_1:
0x0: {  	(tag) =	ssettag $0x1  }
0x1: {  	s3 =	rddreg [dreg:$0x0]  }
0x2: {  	s0 =	rddreg [dreg:$0x1];
	s5 =	simm.s32 $0x0;
	s1 =	stileid.u32  }
0x3: {  	[smem:$0x7FF] =	sst s5;
	s6 =	sadd.s32 $0x1600, s3;
	s4 =	sshll.u32 s1, $0x9  }
0x4: {  	s7 =	sadd.s32 $0x3600, s3;
	_ =	strace $0x80000047;
	s2 =	sadd.s32 s6, s4  }
0x5: {  	[tilespmem:s5], [sflag:$0x1] =	stream.linear.gather [hbm4b:s2+s5], $0x800, $0x38;
	[tilespmem:$0x3000] =	vst v63  }
0x6: {  	s9 =	simm.s32 $0x800;
	s8 =	sadd.s32 s7, s4;
	s2 =	sor.u32 $0x100, s4  }
0x7: {  	[tilespmem:s9], [sflag:$0x2] =	stream.linear.gather [hbm4b:s8+s5], $0x800, $0x38;
	[tilespmem:$0x3000] =	vst v63  }
0x8: {  	s28 =	simm.s32 $0x1800;
	s6 =	sadd.s32 s6, s2  }
0x9: {  	[tilespmem:s28], [sflag:$0x3] =	stream.linear.gather [hbm4b:s6+s5], $0x800, $0x38;
	[tilespmem:$0x3000] =	vst v63  }
0xa: {  	s30 =	simm.s32 $0x2000;
	v0 =	vlaneseq.u32;
	s29 =	sadd.s32 s7, s2;
	s7 =	simm.s32 $0x1  }
0xb: {  	v1 =	vmul.u32 $0x80, v0;
	[tilespmem:s30], [sflag:$0x4] =	stream.linear.gather [hbm4b:s29+s5], $0x800, $0x38;
	[tilespmem:$0x3000] =	vst v63  }
0xc: {  	_ =	swait.ge [sflag:s7], $0x800  }
0xd: {  	v2 =	vor.u32 s7, v1;
	[sflag:s7] =	ssyncset.done $0x0  }
0xe: {  	s31 =	simm.s32 $0x2;
	[sflag:s7] =	ssyncadd.s32 $0xFFFFF800  }
0xf: {  	_ =	swait.ge [sflag:s31], $0x800  }
0x10: {  	[sflag:s31] =	ssyncset.done $0x0  }
0x11: {  	[sflag:s31] =	ssyncadd.s32 $0xFFFFF800  }
0x12: {  	v3 =	vimm.f32 $-Inf;
	s6 =	simm.s32 $0x2;
	v2 =	vld.idx.msk [tilespmem:v2+s5+$0x0], $0xffff  }
0x13: {  	v5 =	vimm.s32 $0x0;
	v4 =	vimm.s32 $0x0;
	s3 =	sadd.s32 $0x5600, s3;
	s8 =	simm.s32 $0x3;
	v6 =	vor.u32 s6, v1;
	v0 =	vld.idx.msk [tilespmem:v1+s5+$0x0], $0xffff  }
.LBB2_1:
0x14: {  	_ = 	snop  }
0x15: {  	p0 =	sne.s32 s8, $0xF  }
.Ltmp0:
0x16: {  	_ = 	snop;
	(pc) =	sbr.rel @p0 .LBB2_1-.Ltmp0, $4  }
0x17: {  	vm0 =	vgt.f32 v2, v3;
	v7 =	vmov v2  }
0x18: {  	vm1 =	vgt.f32 v7, v0;
	v5 =	vsel vm0, s7, v5  }
0x19: {  	s9 =	smov.u32 s8;
	v2 =	vld.idx.msk [tilespmem:v6+s5+$0x0], $0xffff;
	v6 =	vor.u32 s8, v1;
	v3 =	vsel vm0, v7, v3;
	v5 =	vsel vm1, v4, v5  }
0x1a: {  	s8 =	sadd.s32 $0x1, s8;
	v3 =	vsel vm1, v0, v3;
	v0 =	vsel vm1, v7, v0;
	v4 =	vsel vm1, s7, v4;
	s7 =	smov.u32 s6;
	s6 =	smov.u32 s9  }
0x1b: {  	_ =	sdelay $0x3  }
0x1c: {  	v1 =	vld.idx.msk [tilespmem:v6+s5+$0x0], $0xffff;
	_ =	sdelay $0x1  }
0x1d: {  	vm0 =	vgt.f32 v2, v3  }
0x1e: {  	vm1 =	vgt.f32 v2, v0;
	v3 =	vsel vm0, v2, v3  }
0x1f: {  	v5 =	vsel vm0, s7, v5;
	v2 =	vsel vm1, v2, v0;
	v3 =	vsel vm1, v0, v3  }
0x20: {  	v5 =	vsel vm1, v4, v5;
	v4 =	vsel vm1, s7, v4;
	vm12 =	vgt.f32 v1, v3  }
0x21: {  	vm13 =	vgt.f32 v1, v2;
	v0 =	vsel vm12, s6, v5;
	v5 =	vlaneseq.u32  }
0x22: {  	v3 =	vsel vm12, v1, v3;
	v6 =	vsel vm13, v4, v0;
	v0 =	vmul.u32 $0x80, v5  }
0x23: {  	v1 =	vsel vm13, v1, v2;
	v3 =	vsel vm13, v2, v3;
	v5 =	vshll.u32 v6, $0x2  }
0x24: {  	v1 =	vsub.f32 v3, v1;
	v6 =	vadd.s32 v0, v5;
	v7 =	vor.u32 $0x1, v0  }
0x25: {  	v2 =	vadd.s32 v7, v5  }
0x26: {  	v1 =	vmul.f32 $1.442695020e+00, v1  }
0x27: {  	v4 =	vsel vm13, s6, v4;
	v3 =	vor.u32 $0x2, v0  }
0x28: {  	s26 =	simm.s32 $0x800;
	v4 =	vshll.u32 v4, $0x2;
	v8 =	vadd.s32 v3, v5;
	(erf) = vpow2.f32 v1  }
0x29: {  	v1 =	vadd.s32 v0, v4;
	v6 =	vld.idx.msk [tilespmem:v6+s26+$0x0], $0xffff  }
0x2a: {  	v9 =	vor.u32 $0x1, v1;
	v2 =	vld.idx.msk [tilespmem:v2+s26+$0x0], $0xffff;
	_ =	sdelay $0x2  }
0x2b: {  	v10 =	vor.u32 $0x3, v0;
	v60 =	vor.u32 $0x4, v0;
	v8 =	vld.idx.msk [tilespmem:v8+s26+$0x0], $0xffff  }
0x2c: {  	v63 =	vor.u32 $0x5, v0;
	v11 =	vadd.s32 v3, v4;
	v12 =	vadd.s32 v10, v5;
	v14 =	vld.idx.msk [tilespmem:v1+s26+$0x0], $0xffff  }
0x2d: {  	v9 =	vld.idx.msk [tilespmem:v9+s26+$0x0], $0xffff;
	vm14 =	vgt.f32 v2, v6;
	vm15 =	vlt.f32 v2, $-Inf;
	vm2 =	vgt.f32 v2, $-Inf  }
0x2e: {  	v13 =	vor.u32 $0x3, v1;
	vm3 =	vmneg vm14;
	vm1 =	vmor vm2, vm15  }
0x2f: {  	v1 =	vimm.s32 $0x0;
	v17 =	vpop (erf);
	vm2 =	vmand vm3, vm1;
	v15 =	vnsel vm1, $0xFF800000, v2  }
0x30: {  	v2 =	vsel vm3, v6, v2;
	v17 =	vadd.f32 $1.000000000e+00, v17;
	v16 =	vsel vm2, $0x1, v1  }
0x31: {  	v15 =	vsel vm3, v15, v6;
	v6 =	vsel vm14, $0x1, v1;
	vm5 =	vgt.f32 v8, v2  }
0x32: {  	v12 =	vld.idx.msk [tilespmem:v12+s26+$0x0], $0xffff;
	vm7 =	vgt.f32 v9, v14;
	vm8 =	vlt.f32 v9, $-Inf;
	vm9 =	vgt.f32 v9, $-Inf  }
0x33: {  	v11 =	vld.idx.msk [tilespmem:v11+s26+$0x0], $0xffff;
	vm6 =	vgt.f32 v8, v15;
	(erf) = vrcp.f32 v17;
	vm1 =	vmor vm9, vm8  }
0x34: {  	vm11 =	vmneg vm7;
	v58 =	vsel vm7, $0x1, v1;
	v16 =	vsel vm6, $0x2, v16  }
0x35: {  	v15 =	vsel vm6, v8, v15;
	vm12 =	vmand vm11, vm1;
	v56 =	vnsel vm1, $0xFF800000, v9  }
0x36: {  	v9 =	vsel vm11, v14, v9;
	v16 =	vsel vm5, v6, v16;
	v15 =	vsel vm5, v2, v15  }
0x37: {  	v6 =	vsel vm5, $0x2, v6;
	v2 =	vsel vm5, v8, v2;
	v8 =	vld.idx.msk [tilespmem:v13+s26+$0x0], $0xffff;
	v57 =	vsel vm11, v56, v14  }
0x38: {  	vm2 =	vgt.f32 v11, v9;
	vm10 =	vgt.f32 v12, v15;
	vm13 =	vgt.f32 v12, v2  }
0x39: {  	v2 =	vsel vm12, $0x1, v1;
	vm14 =	vgt.f32 v11, v57;
	v15 =	vsel vm2, $0x2, v58  }
0x3a: {  	v55 =	vsel vm10, $0x3, v16;
	v2 =	vsel vm14, $0x2, v2;
	v12 =	vsel vm14, v11, v57  }
0x3b: {  	v59 =	vsel vm13, $0x3, v6;
	v12 =	vsel vm2, v9, v12;
	v9 =	vsel vm2, v11, v9  }
0x3c: {  	s28 =	simm.s32 $0x1000;
	v2 =	vsel vm2, v58, v2;
	vm15 =	vgt.f32 v8, v12;
	vm2 =	vgt.f32 v8, v9;
	v8 =	vpop (erf)  }
0x3d: {  	v2 =	vsel vm15, $0x3, v2;
	v61 =	vsel vm2, $0x3, v15;
	v62 =	vsub.f32 $1.000000000e+00, v8;
	[tilespmem:v0+s28+$0x0] =	vst.idx.msk $0xffff, v8  }
0x3e: {  	v2 =	vsel vm2, v15, v2;
	v11 =	vor.u32 v4, v61;
	[tilespmem:v7+s28+$0x0] =	vst.idx.msk $0xffff, v8;
	v7 =	vor.u32 $0x6, v0  }
0x3f: {  	v2 =	vor.u32 v4, v2;
	v4 =	vcvt.s32.f32 v11;
	[tilespmem:v3+s28+$0x0] =	vst.idx.msk $0xffff, v62;
	v3 =	vor.u32 $0x7, v0  }
0x40: {  	v6 =	vsel vm13, v6, v55;
	v8 =	vor.u32 v5, v59;
	v2 =	vcvt.s32.f32 v2;
	[tilespmem:v10+s28+$0x0] =	vst.idx.msk $0xffff, v62  }
0x41: {  	v5 =	vor.u32 v5, v6;
	v6 =	vcvt.s32.f32 v8;
	[tilespmem:v60+s28+$0x0] =	vst.idx.msk $0xffff, v4  }
0x42: {  	v4 =	vcvt.s32.f32 v5;
	[tilespmem:v63+s28+$0x0] =	vst.idx.msk $0xffff, v2  }
0x43: {  	[tilespmem:v7+s28+$0x0] =	vst.idx.msk $0xffff, v6  }
0x44: {  	s4 =	sadd.s32 s3, s4;
	s29 =	simm.s32 $0x0;
	s30 =	simm.s32 $0x3;
	[tilespmem:v3+s28+$0x0] =	vst.idx.msk $0xffff, v4  }
0x45: {  	[hbm4b:s4+s29] =	stream.linear.scatter [tilespmem:s28], [sflag:$0x5], $0x800, $0x38;
	[tilespmem:$0x3000] =	vst v63  }
0x46: {  	s5 =	simm.s32 $0x1;
	_ =	swait.ge [sflag:s30], $0x800  }
0x47: {  	v3 =	vor.u32 s5, v0;
	[sflag:s30] =	ssyncset.done $0x0  }
0x48: {  	s31 =	simm.s32 $0x4;
	[sflag:s30] =	ssyncadd.s32 $0xFFFFF800  }
0x49: {  	_ =	swait.ge [sflag:s31], $0x800  }
0x4a: {  	[sflag:s31] =	ssyncset.done $0x0  }
0x4b: {  	s6 =	simm.s32 $0x1800;
	[sflag:s31] =	ssyncadd.s32 $0xFFFFF800  }
0x4c: {  	s4 =	simm.s32 $0x2;
	v3 =	vld.idx.msk [tilespmem:v3+s6+$0x0], $0xffff  }
0x4d: {  	s7 =	simm.s32 $0x3;
	v5 =	vimm.f32 $-Inf;
	v4 =	vimm.s32 $0x0;
	v6 =	vor.u32 s4, v0;
	v2 =	vld.idx.msk [tilespmem:v0+s6+$0x0], $0xffff  }
.LBB2_3:
0x4e: {  	_ = 	snop  }
0x4f: {  	p0 =	sne.s32 s7, $0xF  }
.Ltmp1:
0x50: {  	_ = 	snop;
	(pc) =	sbr.rel @p0 .LBB2_3-.Ltmp1, $4  }
0x51: {  	vm0 =	vgt.f32 v3, v5;
	v7 =	vmov v3  }
0x52: {  	vm1 =	vgt.f32 v7, v2;
	v1 =	vsel vm0, s5, v1  }
0x53: {  	s8 =	smov.u32 s7;
	v3 =	vld.idx.msk [tilespmem:v6+s6+$0x0], $0xffff;
	v6 =	vor.u32 s7, v0;
	v5 =	vsel vm0, v7, v5;
	v1 =	vsel vm1, v4, v1  }
0x54: {  	s7 =	sadd.s32 $0x1, s7;
	v5 =	vsel vm1, v2, v5;
	v2 =	vsel vm1, v7, v2;
	v4 =	vsel vm1, s5, v4;
	s5 =	smov.u32 s4;
	s4 =	smov.u32 s8  }
0x55: {  	_ =	sdelay $0x3  }
0x56: {  	v0 =	vld.idx.msk [tilespmem:v6+s6+$0x0], $0xffff  }
0x57: {  	vm0 =	vgt.f32 v3, v5  }
0x58: {  	v42 =	vlaneseq.u32;
	vm1 =	vgt.f32 v3, v2;
	v1 =	vsel vm0, s5, v1  }
0x59: {  	v5 =	vsel vm0, v3, v5;
	v40 =	vsel vm1, v3, v2;
	v41 =	vsel vm1, s5, v4  }
0x5a: {  	v1 =	vsel vm1, v4, v1;
	v5 =	vsel vm1, v2, v5;
	v4 =	vmul.u32 $0x80, v42  }
0x5b: {  	vm14 =	vgt.f32 v0, v40;
	vm13 =	vgt.f32 v0, v5  }
0x5c: {  	v3 =	vsel vm14, s4, v41;
	v1 =	vsel vm13, s4, v1;
	v43 =	vor.u32 $0x1, v4  }
0x5d: {  	v5 =	vsel vm13, v0, v5;
	v0 =	vsel vm14, v0, v40;
	v46 =	vshll.u32 v3, $0x2  }
0x5e: {  	v1 =	vsel vm14, v41, v1;
	v5 =	vsel vm14, v40, v5;
	v3 =	vadd.s32 v4, v46  }
0x5f: {  	v1 =	vshll.u32 v1, $0x2;
	v0 =	vsub.f32 v5, v0;
	v9 =	vor.u32 $0x1, v3  }
0x60: {  	v7 =	vadd.s32 v43, v1  }
0x61: {  	v44 =	vadd.s32 v4, v1;
	v0 =	vmul.f32 $1.442695020e+00, v0  }
0x62: {  	s28 =	simm.s32 $0x2000  }
0x63: {  	(erf) = vpow2.f32 v0;
	v14 =	vld.idx.msk [tilespmem:v3+s28+$0x0], $0xffff  }
0x64: {  	v9 =	vld.idx.msk [tilespmem:v9+s28+$0x0], $0xffff  }
0x65: {  	v7 =	vld.idx.msk [tilespmem:v7+s28+$0x0], $0xffff  }
0x66: {  	v45 =	vor.u32 $0x2, v4;
	v2 =	vld.idx.msk [tilespmem:v44+s28+$0x0], $0xffff  }
0x67: {  	v15 =	vimm.s32 $0x0;
	v10 =	vor.u32 $0x3, v4;
	v12 =	vadd.s32 v45, v46  }
0x68: {  	v55 =	vor.u32 $0x4, v4;
	v58 =	vor.u32 $0x5, v4;
	v8 =	vadd.s32 v45, v1  }
0x69: {  	v59 =	vor.u32 $0x6, v4;
	v11 =	vadd.s32 v10, v1;
	v3 =	vor.u32 $0x3, v3  }
0x6a: {  	vm8 =	vgt.f32 v9, v14;
	vm9 =	vlt.f32 v9, $-Inf;
	vm10 =	vgt.f32 v9, $-Inf  }
0x6b: {  	vm15 =	vlt.f32 v7, $-Inf;
	vm4 =	vgt.f32 v7, $-Inf;
	vm2 =	vgt.f32 v7, v2  }
0x6c: {  	v12 =	vld.idx.msk [tilespmem:v12+s28+$0x0], $0xffff;
	vm1 =	vmor vm10, vm9;
	vm11 =	vmneg vm8;
	v52 =	vsel vm8, $0x1, v15;
	v17 =	vpop (erf)  }
0x6d: {  	v8 =	vld.idx.msk [tilespmem:v8+s28+$0x0], $0xffff;
	vm0 =	vmor vm4, vm15;
	vm5 =	vmneg vm2;
	v17 =	vadd.f32 $1.000000000e+00, v17  }
0x6e: {  	v47 =	vsel vm2, $0x1, v15;
	vm12 =	vmand vm11, vm1;
	v49 =	vnsel vm1, $0xFF800000, v9  }
0x6f: {  	v9 =	vsel vm11, v14, v9;
	v13 =	vnsel vm0, $0xFF800000, v7;
	(erf) = vrcp.f32 v17  }
0x70: {  	v11 =	vld.idx.msk [tilespmem:v11+s28+$0x0], $0xffff;
	vm0 =	vmand vm5, vm0;
	v50 =	vsel vm12, $0x1, v15;
	v51 =	vsel vm11, v49, v14  }
0x71: {  	vm2 =	vgt.f32 v12, v9;
	v13 =	vsel vm5, v13, v2;
	v16 =	vsel vm0, $0x1, v15  }
0x72: {  	v2 =	vsel vm5, v2, v7;
	vm14 =	vgt.f32 v12, v51;
	vm6 =	vgt.f32 v8, v13  }
0x73: {  	v3 =	vld.idx.msk [tilespmem:v3+s28+$0x0], $0xffff;
	vm7 =	vgt.f32 v8, v2;
	v16 =	vsel vm6, $0x2, v16;
	v13 =	vsel vm6, v8, v13  }
0x74: {  	v7 =	vsel vm7, $0x2, v47;
	v13 =	vsel vm7, v2, v13;
	v2 =	vsel vm7, v8, v2  }
0x75: {  	v16 =	vsel vm7, v47, v16;
	vm3 =	vgt.f32 v11, v13;
	vm13 =	vgt.f32 v11, v2  }
0x76: {  	v2 =	vsel vm14, $0x2, v50;
	v11 =	vsel vm14, v12, v51;
	v13 =	vsel vm2, $0x2, v52  }
0x77: {  	v48 =	vsel vm3, $0x3, v16;
	v11 =	vsel vm2, v9, v11;
	v9 =	vsel vm2, v12, v9  }
0x78: {  	s29 =	simm.s32 $0x2800;
	v2 =	vsel vm2, v52, v2;
	vm15 =	vgt.f32 v3, v11;
	vm2 =	vgt.f32 v3, v9;
	v54 =	vpop (erf)  }
0x79: {  	v2 =	vsel vm15, $0x3, v2;
	v56 =	vsel vm2, $0x3, v13;
	v57 =	vsub.f32 $1.000000000e+00, v54;
	[tilespmem:v4+s29+$0x0] =	vst.idx.msk $0xffff, v54  }
0x7a: {  	v53 =	vsel vm13, $0x3, v7;
	v2 =	vsel vm2, v13, v2;
	v11 =	vor.u32 v46, v56;
	[tilespmem:v43+s29+$0x0] =	vst.idx.msk $0xffff, v54  }
0x7b: {  	v0 =	vor.u32 v46, v2;
	v60 =	vcvt.s32.f32 v11;
	v4 =	vor.u32 $0x7, v4;
	[tilespmem:v45+s29+$0x0] =	vst.idx.msk $0xffff, v57  }
0x7c: {  	v61 =	vsel vm13, v7, v48;
	v62 =	vor.u32 v1, v53;
	v0 =	vcvt.s32.f32 v0;
	[tilespmem:v10+s29+$0x0] =	vst.idx.msk $0xffff, v57  }
0x7d: {  	v1 =	vor.u32 v1, v61;
	v63 =	vcvt.s32.f32 v62;
	[tilespmem:v55+s29+$0x0] =	vst.idx.msk $0xffff, v60  }
0x7e: {  	v1 =	vcvt.s32.f32 v1;
	[tilespmem:v58+s29+$0x0] =	vst.idx.msk $0xffff, v0  }
0x7f: {  	[tilespmem:v59+s29+$0x0] =	vst.idx.msk $0xffff, v63  }
0x80: {  	s2 =	sadd.s32 s3, s2;
	s30 =	simm.s32 $0x0;
	s31 =	simm.s32 $0x5;
	[tilespmem:v4+s29+$0x0] =	vst.idx.msk $0xffff, v1  }
0x81: {  	[hbm4b:s2+s30] =	stream.linear.scatter [tilespmem:s29], [sflag:$0x5], $0x800, $0x38;
	[tilespmem:$0x3000] =	vst v63  }
0x82: {  	_ =	swait.ge [sflag:s31], $0x800  }
0x83: {  	[sflag:s31] =	ssyncset.done $0x0  }
0x84: {  	[sflag:s31] =	ssyncadd.s32 $0xFFFFF800  }
0x85: {  	_ =	swait.ge [sflag:s31], $0x800  }
0x86: {  	[sflag:s31] =	ssyncset.done $0x0  }
0x87: {  	[sflag:s31] =	ssyncadd.s32 $0xFFFFF800  }
0x88: {  	_ =	sfence.sel $0x180000  }
0x89: {  	[bflag:$0x0] =	sbarrier.arrive $0xFFFF  }
0x8a: {  	p0 =	sne.s32 s1, $0x0;
	_ =	strace $0x90000047  }
0x8b: {  	s0 =	sadd.s32 @!p0 $0x100000, s0;
	[bflag:$0x2] =	sbarrier.arrive $0xFFFF  }
0x8c: {  	[sflag:s0] =	ssyncadd.tile.s32 @!p0 $0x1;
	_ =	shalt  }
.Lfunc_end2:
_tile_overlayer_lowered:
.L_overlay_start_2:
0x8d: {  	(tag) =	ssettag $0x2  }
0x8e: {  	s0 =	rddreg [dreg:$0x0];
	s2 =	stileid.u32  }
0x8f: {  	s1 =	rddreg [dreg:$0x1];
	p0 =	sne.s32 s2, $0x0  }
0x90: {  	s3 =	rddreg [dreg:$0x2];
	[bflag:$0x3] =	sbarrier.arrive $0xFFFF;
	s2 =	simm.s32 @!p0 $0x1C06  }
0x91: {  	[timem:s3], [sflag:s2] =	dma.local @!p0 [hbm:s0], s1  }
0x92: {  	s0 =	simm.s32 @!p0 $0x6  }
0x93: {  	_ =	swait.ge @!p0 [sflag:s0], s1  }
0x94: {  	s1 =	ssub.s32 @!p0 $0x0, s1;
	[sflag:s0] =	ssyncset.done @!p0 $0x0  }
0x95: {  	[sflag:s0] =	ssyncadd.s32 @!p0 s1  }
0x96: {  	[bflag:$0x3] =	sbarrier.arrive $0xFFFF  }
0x97: {  	_ =	shalt  }

</sc_bundles>
